<compile_context>
chip_gen: v7x
topology: tpu7x:2x2x1
jax: 0.10.2.dev20260603
libtpu: 0.0.44.dev20260713+nightly
codegen_flags: <defaults>
</compile_context>

<pallas_src>
import functools
import math

import jax
import jax.numpy as jnp
from jax import lax
from jax.experimental import pallas as pl
from jax.experimental.pallas import tpu as pltpu
from jax.experimental.pallas import tpu_sc as plsc

N_FEATURES = 128
N_BASIS = 20
CUTOFF = 5.0
EPSILON = 1e-08



def _tc_body(d_ref, dv_ref, edge_ref, dvn_ref, dcp_ref, zf_ref, zdr_ref):
    d = d_ref[0]
    theta = d * (math.pi / CUTOFF)
    s1 = jnp.sin(theta)
    c2 = 2.0 * jnp.cos(theta)
    rinv = 1.0 / (d + EPSILON)
    s_prev = jnp.zeros_like(d)
    s_cur = s1
    edge_ref[0, 0] = s1 * rinv
    for k in range(1, N_BASIS):
        s_next = c2 * s_cur - s_prev
        s_prev, s_cur = s_cur, s_next
        edge_ref[0, k] = s_cur * rinv
    for c in range(3):
        dvn_ref[0, c] = dv_ref[0, c] * rinv
    dcp_ref[0] = d
    zf_ref[...] = jnp.zeros_like(zf_ref)
    zdr_ref[...] = jnp.zeros_like(zdr_ref)


@functools.partial(jax.jit, static_argnames=("b", "nb", "a", "f"))
def _tc_radial(d_t, dv_t, b, nb, a, f):
    return pl.pallas_call(
        _tc_body,
        grid=(b,),
        in_specs=[
            pl.BlockSpec((1, nb, a), lambda i: (i, 0, 0)),
            pl.BlockSpec((1, 3, nb, a), lambda i: (i, 0, 0, 0)),
        ],
        out_specs=[
            pl.BlockSpec((1, N_BASIS, nb, a), lambda i: (i, 0, 0, 0)),
            pl.BlockSpec((1, 3, nb, a), lambda i: (i, 0, 0, 0)),
            pl.BlockSpec((1, nb, a), lambda i: (i, 0, 0)),
            pl.BlockSpec((1, 3, a, f), lambda i: (i, 0, 0, 0)),
            pl.BlockSpec((1, 3, a, f), lambda i: (i, 0, 0, 0)),
        ],
        out_shape=[
            jax.ShapeDtypeStruct((b, N_BASIS, nb, a), jnp.float32),
            jax.ShapeDtypeStruct((b, 3, nb, a), jnp.float32),
            jax.ShapeDtypeStruct((b, nb, a), jnp.float32),
            jax.ShapeDtypeStruct((b, 3, a, f), jnp.float32),
            jax.ShapeDtypeStruct((b, 3, a, f), jnp.float32),
        ],
    )(d_t, dv_t)



_NC, _NS = 1, 16
_NW = _NC * _NS


def _sc_gather_body(b_per_w, nz, table_hbm, idx_hbm, out_hbm, idx_a, idx_b,
                    table_v, rows_v, sem):
    sid = lax.axis_index("s")
    wid = sid * _NC + lax.axis_index("c")
    base = wid * b_per_w
    half = b_per_w // 2
    @pl.when(sid == 0)
    def _stage():
        pltpu.sync_copy(table_hbm, table_v)

    pltpu.sync_copy(idx_hbm.at[pl.ds(base, half)], idx_a)
    pltpu.sync_copy(idx_hbm.at[pl.ds(base + half, half)], idx_b)
    plsc.subcore_barrier()
    pltpu.async_copy(table_v.at[idx_a], rows_v, sem).wait()
    pltpu.sync_copy(rows_v, out_hbm.at[pl.ds(base, half)])
    pltpu.async_copy(table_v.at[idx_b], rows_v, sem).wait()
    pltpu.sync_copy(rows_v, out_hbm.at[pl.ds(base + half, half)])


@functools.partial(jax.jit, static_argnames=("rows", "feat"))
def _sc_gather(table, idx, rows, feat):
    nz = table.shape[0]
    b_per_w = rows // _NW
    mesh = plsc.VectorSubcoreMesh(
        core_axis_name="c", subcore_axis_name="s", num_cores=_NC, num_subcores=_NS
    )
    return pl.kernel(
        functools.partial(_sc_gather_body, b_per_w, nz),
        out_type=jax.ShapeDtypeStruct((rows, feat), jnp.float32),
        mesh=mesh,
        scratch_types=[
            pltpu.VMEM((b_per_w // 2,), jnp.int32),
            pltpu.VMEM((b_per_w // 2,), jnp.int32),
            pltpu.VMEM_SHARED((nz, feat), jnp.float32),
            pltpu.VMEM((b_per_w // 2, feat), jnp.float32),
            pltpu.SemaphoreType.DMA,
        ],
    )(table, idx)




def kernel(atomic_numbers, positions, neighbor_mask, distances, distance_vectors,
           node_embedding_weight):
    B, A = atomic_numbers.shape
    NB = distances.shape[-1]
    F = node_embedding_weight.shape[-1]
    rows = B * A

    idx = atomic_numbers.reshape(rows).astype(jnp.int32)
    inv_node = _sc_gather(node_embedding_weight, idx, rows=rows, feat=F)

    d_t = jnp.transpose(distances, (0, 2, 1))
    dv_t = jnp.transpose(distance_vectors, (0, 3, 2, 1))
    edge_t, dvn_t, dcp_t, zf_t, zdr_t = _tc_radial(d_t, dv_t, b=B, nb=NB, a=A, f=F)

    invariant_node = inv_node.reshape(B, A, F)
    invariant_edge = jnp.transpose(edge_t, (0, 3, 2, 1))
    dvn = jnp.transpose(dvn_t, (0, 3, 2, 1))
    d_out = jnp.transpose(dcp_t, (0, 2, 1))
    eq_F = jnp.zeros((B, A, 3), jnp.float32)
    eq_f = jnp.transpose(zf_t, (0, 2, 1, 3))
    eq_dr = jnp.transpose(zdr_t, (0, 2, 1, 3))
    return (invariant_node, eq_F, eq_f, eq_dr, invariant_edge, d_out, dvn)

# --- scband reference (transcript-rebuilt; emitter-appended) ---
"""Pipeline reference for scband-embedding-net-7181185319450 (READ-ONLY COPY).

The authoritative reference and input builder live on the scoring server;
editing this copy changes nothing except your own understanding.
"""

import jax, jax.numpy as jnp
import numpy as np

N_FEATURES = 128
N_BASIS = 20
CUTOFF = 5.0
EPSILON = 1e-08
MAX_Z = 20  # embedded_atomic_numbers = 0..20, table size 21


def setup_inputs(seed: int = 0) -> dict:
    key = jax.random.key(seed)
    k1, k2, k3, k4, k5 = jax.random.split(key, 5)
    B, A, NB = 16, 1024, 64
    atomic_numbers = jax.random.randint(k1, (B, A), 0, MAX_Z + 1, dtype=jnp.int64 if jax.config.jax_enable_x64 else jnp.int32)
    positions = jax.random.normal(k2, (B, A, 3), dtype=jnp.float32)
    neighbor_mask = jnp.ones((B, A, NB), dtype=jnp.float32)
    distances = jax.random.uniform(k3, (B, A, NB), dtype=jnp.float32)
    distance_vectors = jax.random.normal(k4, (B, A, NB, 3), dtype=jnp.float32)
    node_embedding_weight = jax.random.normal(k5, (MAX_Z + 1, N_FEATURES), dtype=jnp.float32)
    return {
        "atomic_numbers": atomic_numbers,
        "positions": positions,
        "neighbor_mask": neighbor_mask,
        "distances": distances,
        "distance_vectors": distance_vectors,
        "node_embedding_weight": node_embedding_weight,
    }


def _radial_bessel(distances):
    # RadialBesselLayer: sin(n*pi*d/cutoff) / d for n = 1..n_basis
    freqs = jnp.pi * jnp.arange(1, N_BASIS + 1, dtype=jnp.float32) / CUTOFF
    d = distances[..., None]
    return jnp.sin(freqs * d) / (d + EPSILON)


def reference(atomic_numbers, positions, neighbor_mask, distances, distance_vectors, node_embedding_weight):
    # node embedding gather (SparseCore-friendly: table[idx])
    invariant_node = jnp.take(node_embedding_weight, atomic_numbers, axis=0)
    batch_size, n_atoms, n_features = invariant_node.shape
    equivariant_node_F = jnp.zeros((batch_size, n_atoms, 3), dtype=jnp.float32)
    equivariant_node_f = jnp.zeros((batch_size, n_atoms, 3, n_features), dtype=jnp.float32)
    equivariant_node_dr = jnp.zeros((batch_size, n_atoms, 3, n_features), dtype=jnp.float32)
    # requires_dr is False -> shell is never invoked
    distance_vectors = distance_vectors / (distances[..., None] + EPSILON)
    invariant_edge = _radial_bessel(distances)
    return (invariant_node, equivariant_node_F, equivariant_node_f, equivariant_node_dr,
            invariant_edge, distances, distance_vectors)

if __name__ == "__main__":
    import jax
    _d = setup_inputs()
    print(jax.jit(kernel)(*tuple(_d.values())))

</pallas_src>

<mosaic_0001>
#map = affine_map<(d0, d1) -> (0, 0)>
#map1 = affine_map<(d0, d1) -> (0)>
module attributes {stable_mosaic.version = 14 : i64} {
  func.func @_sc_gather_body(%arg0: i32, %arg1: i32, %arg2: memref<21x128xf32, #tpu.memory_space<hbm>>, %arg3: memref<16384xi32, #tpu.memory_space<hbm>>, %arg4: memref<16384x128xf32, #tpu.memory_space<hbm>>, %arg5: memref<512xi32, #tpu.memory_space<vmem>>, %arg6: memref<512xi32, #tpu.memory_space<vmem>>, %arg7: memref<21x128xf32, #tpu.memory_space<vmem_shared>>, %arg8: memref<512x128xf32, #tpu.memory_space<vmem>>, %arg9: memref<!tpu.dma_semaphore, #tpu.memory_space<semaphore_mem>>) attributes {dimension_semantics = [#tpu.dimension_semantics<core_parallel>, #tpu.dimension_semantics<subcore_parallel>], iteration_bounds = array<i64: 1, 16>, scalar_prefetch = 0 : i64, scratch_operands = 5 : i64, tpu.core_type = #tpu.core_type<sc_vector_subcore>, window_params = [{transform_indices = #map}, {transform_indices = #map1}, {transform_indices = #map}]} {
    %mul3A = arith.constant 1 : i32
    %mul3A_0 = arith.muli %arg1, %mul3A : i32
    %add3A = arith.addi %mul3A_0, %arg0 : i32
    %mul3A_1 = arith.constant 1024 : i32
    %mul3A_2 = arith.muli %add3A, %mul3A_1 : i32
    %eq3A = arith.constant 0 : i32
    %eq3A_3 = arith.cmpi eq, %arg1, %eq3A : i32
    %convert_element_type3A = arith.extui %eq3A_3 : i1 to i32
    %cond3A = arith.constant 0 : i32
    %cond3A_4 = arith.cmpi ne, %convert_element_type3A, %cond3A : i32
    scf.if %cond3A_4 {
      "tpu.region"() ({
        %run_scoped3A = tpu.sem_alloc : memref<!tpu.dma_semaphore, #tpu.memory_space<semaphore_mem>>
        tpu.enqueue_dma source(%arg2 : memref<21x128xf32, #tpu.memory_space<hbm>>) target(%arg7 : memref<21x128xf32, #tpu.memory_space<vmem_shared>>) target_semaphore(%run_scoped3A : memref<!tpu.dma_semaphore, #tpu.memory_space<semaphore_mem>>)
        tpu.wait_dma2 semaphore(%run_scoped3A : memref<!tpu.dma_semaphore, #tpu.memory_space<semaphore_mem>>) src(%arg2 : memref<21x128xf32, #tpu.memory_space<hbm>>) dst(%arg7 : memref<21x128xf32, #tpu.memory_space<vmem_shared>>)
        tpu.yield
      }) : () -> ()
    } else {
    }
    "tpu.region"() ({
      %run_scoped3A = tpu.sem_alloc : memref<!tpu.dma_semaphore, #tpu.memory_space<semaphore_mem>>
      %dma_start3A_19 = tpu.memref_slice %arg3[%mul3A_2] : memref<16384xi32, #tpu.memory_space<hbm>> -> memref<512xi32, #tpu.memory_space<hbm>>
      %dma_start3A_20 = tpu.memref_slice %arg3[%mul3A_2] : memref<16384xi32, #tpu.memory_space<hbm>> -> memref<512xi32, #tpu.memory_space<hbm>>
      tpu.enqueue_dma source(%dma_start3A_20 : memref<512xi32, #tpu.memory_space<hbm>>) target(%arg5 : memref<512xi32, #tpu.memory_space<vmem>>) target_semaphore(%run_scoped3A : memref<!tpu.dma_semaphore, #tpu.memory_space<semaphore_mem>>)
      %dma_wait3A_21 = tpu.memref_slice %arg3[%mul3A_2] : memref<16384xi32, #tpu.memory_space<hbm>> -> memref<512xi32, #tpu.memory_space<hbm>>
      %dma_wait3A_22 = tpu.memref_slice %arg3[%mul3A_2] : memref<16384xi32, #tpu.memory_space<hbm>> -> memref<512xi32, #tpu.memory_space<hbm>>
      tpu.wait_dma2 semaphore(%run_scoped3A : memref<!tpu.dma_semaphore, #tpu.memory_space<semaphore_mem>>) src(%dma_wait3A_22 : memref<512xi32, #tpu.memory_space<hbm>>) dst(%arg5 : memref<512xi32, #tpu.memory_space<vmem>>)
      tpu.yield
    }) : () -> ()
    %add3A_5 = arith.constant 512 : i32
    %add3A_6 = arith.addi %mul3A_2, %add3A_5 : i32
    "tpu.region"() ({
      %run_scoped3A = tpu.sem_alloc : memref<!tpu.dma_semaphore, #tpu.memory_space<semaphore_mem>>
      %dma_start3A_19 = tpu.memref_slice %arg3[%add3A_6] : memref<16384xi32, #tpu.memory_space<hbm>> -> memref<512xi32, #tpu.memory_space<hbm>>
      %dma_start3A_20 = tpu.memref_slice %arg3[%add3A_6] : memref<16384xi32, #tpu.memory_space<hbm>> -> memref<512xi32, #tpu.memory_space<hbm>>
      tpu.enqueue_dma source(%dma_start3A_20 : memref<512xi32, #tpu.memory_space<hbm>>) target(%arg6 : memref<512xi32, #tpu.memory_space<vmem>>) target_semaphore(%run_scoped3A : memref<!tpu.dma_semaphore, #tpu.memory_space<semaphore_mem>>)
      %dma_wait3A_21 = tpu.memref_slice %arg3[%add3A_6] : memref<16384xi32, #tpu.memory_space<hbm>> -> memref<512xi32, #tpu.memory_space<hbm>>
      %dma_wait3A_22 = tpu.memref_slice %arg3[%add3A_6] : memref<16384xi32, #tpu.memory_space<hbm>> -> memref<512xi32, #tpu.memory_space<hbm>>
      tpu.wait_dma2 semaphore(%run_scoped3A : memref<!tpu.dma_semaphore, #tpu.memory_space<semaphore_mem>>) src(%dma_wait3A_22 : memref<512xi32, #tpu.memory_space<hbm>>) dst(%arg6 : memref<512xi32, #tpu.memory_space<vmem>>)
      tpu.yield
    }) : () -> ()
    %barrier3A = arith.constant 0 : index
    tpu.barrier barrier_id(%barrier3A)
    %dma_start3A = arith.constant 0 : i32
    %dma_start3A_7 = arith.constant 0 : i32
    %dma_start3A_8 = tpu.memref_slice %arg7[%dma_start3A, %dma_start3A_7] : memref<21x128xf32, #tpu.memory_space<vmem_shared>> -> memref<21x128xf32, #tpu.memory_space<vmem_shared>>
    tpu.enqueue_indirect_dma source(%dma_start3A_8 : memref<21x128xf32, #tpu.memory_space<vmem_shared>>) target(%arg8 : memref<512x128xf32, #tpu.memory_space<vmem>>) offsets(%arg5 : memref<512xi32, #tpu.memory_space<vmem>>) semaphore(%arg9 : memref<!tpu.dma_semaphore, #tpu.memory_space<semaphore_mem>>)
    %dma_wait3A = arith.constant 0 : i32
    %dma_wait3A_9 = arith.constant 0 : i32
    %dma_wait3A_10 = tpu.memref_slice %arg7[%dma_wait3A, %dma_wait3A_9] : memref<21x128xf32, #tpu.memory_space<vmem_shared>> -> memref<21x128xf32, #tpu.memory_space<vmem_shared>>
    tpu.wait_indirect_dma semaphore(%arg9 : memref<!tpu.dma_semaphore, #tpu.memory_space<semaphore_mem>>) src(%dma_wait3A_10 : memref<21x128xf32, #tpu.memory_space<vmem_shared>>) dst(%arg8 : memref<512x128xf32, #tpu.memory_space<vmem>>)
    "tpu.region"() ({
      %run_scoped3A = tpu.sem_alloc : memref<!tpu.dma_semaphore, #tpu.memory_space<semaphore_mem>>
      %dma_start3A_19 = arith.constant 0 : i32
      %dma_start3A_20 = tpu.memref_slice %arg4[%mul3A_2, %dma_start3A_19] : memref<16384x128xf32, #tpu.memory_space<hbm>> -> memref<512x128xf32, #tpu.memory_space<hbm>>
      %dma_start3A_21 = arith.constant 0 : i32
      %dma_start3A_22 = tpu.memref_slice %arg4[%mul3A_2, %dma_start3A_21] : memref<16384x128xf32, #tpu.memory_space<hbm>> -> memref<512x128xf32, #tpu.memory_space<hbm>>
      tpu.enqueue_dma source(%arg8 : memref<512x128xf32, #tpu.memory_space<vmem>>) target(%dma_start3A_22 : memref<512x128xf32, #tpu.memory_space<hbm>>) target_semaphore(%run_scoped3A : memref<!tpu.dma_semaphore, #tpu.memory_space<semaphore_mem>>)
      %dma_wait3A_23 = arith.constant 0 : i32
      %dma_wait3A_24 = tpu.memref_slice %arg4[%mul3A_2, %dma_wait3A_23] : memref<16384x128xf32, #tpu.memory_space<hbm>> -> memref<512x128xf32, #tpu.memory_space<hbm>>
      %dma_wait3A_25 = arith.constant 0 : i32
      %dma_wait3A_26 = tpu.memref_slice %arg4[%mul3A_2, %dma_wait3A_25] : memref<16384x128xf32, #tpu.memory_space<hbm>> -> memref<512x128xf32, #tpu.memory_space<hbm>>
      tpu.wait_dma2 semaphore(%run_scoped3A : memref<!tpu.dma_semaphore, #tpu.memory_space<semaphore_mem>>) src(%arg8 : memref<512x128xf32, #tpu.memory_space<vmem>>) dst(%dma_wait3A_26 : memref<512x128xf32, #tpu.memory_space<hbm>>)
      tpu.yield
    }) : () -> ()
    %dma_start3A_11 = arith.constant 0 : i32
    %dma_start3A_12 = arith.constant 0 : i32
    %dma_start3A_13 = tpu.memref_slice %arg7[%dma_start3A_11, %dma_start3A_12] : memref<21x128xf32, #tpu.memory_space<vmem_shared>> -> memref<21x128xf32, #tpu.memory_space<vmem_shared>>
    tpu.enqueue_indirect_dma source(%dma_start3A_13 : memref<21x128xf32, #tpu.memory_space<vmem_shared>>) target(%arg8 : memref<512x128xf32, #tpu.memory_space<vmem>>) offsets(%arg6 : memref<512xi32, #tpu.memory_space<vmem>>) semaphore(%arg9 : memref<!tpu.dma_semaphore, #tpu.memory_space<semaphore_mem>>)
    %dma_wait3A_14 = arith.constant 0 : i32
    %dma_wait3A_15 = arith.constant 0 : i32
    %dma_wait3A_16 = tpu.memref_slice %arg7[%dma_wait3A_14, %dma_wait3A_15] : memref<21x128xf32, #tpu.memory_space<vmem_shared>> -> memref<21x128xf32, #tpu.memory_space<vmem_shared>>
    tpu.wait_indirect_dma semaphore(%arg9 : memref<!tpu.dma_semaphore, #tpu.memory_space<semaphore_mem>>) src(%dma_wait3A_16 : memref<21x128xf32, #tpu.memory_space<vmem_shared>>) dst(%arg8 : memref<512x128xf32, #tpu.memory_space<vmem>>)
    %add3A_17 = arith.constant 512 : i32
    %add3A_18 = arith.addi %mul3A_2, %add3A_17 : i32
    "tpu.region"() ({
      %run_scoped3A = tpu.sem_alloc : memref<!tpu.dma_semaphore, #tpu.memory_space<semaphore_mem>>
      %dma_start3A_19 = arith.constant 0 : i32
      %dma_start3A_20 = tpu.memref_slice %arg4[%add3A_18, %dma_start3A_19] : memref<16384x128xf32, #tpu.memory_space<hbm>> -> memref<512x128xf32, #tpu.memory_space<hbm>>
      %dma_start3A_21 = arith.constant 0 : i32
      %dma_start3A_22 = tpu.memref_slice %arg4[%add3A_18, %dma_start3A_21] : memref<16384x128xf32, #tpu.memory_space<hbm>> -> memref<512x128xf32, #tpu.memory_space<hbm>>
      tpu.enqueue_dma source(%arg8 : memref<512x128xf32, #tpu.memory_space<vmem>>) target(%dma_start3A_22 : memref<512x128xf32, #tpu.memory_space<hbm>>) target_semaphore(%run_scoped3A : memref<!tpu.dma_semaphore, #tpu.memory_space<semaphore_mem>>)
      %dma_wait3A_23 = arith.constant 0 : i32
      %dma_wait3A_24 = tpu.memref_slice %arg4[%add3A_18, %dma_wait3A_23] : memref<16384x128xf32, #tpu.memory_space<hbm>> -> memref<512x128xf32, #tpu.memory_space<hbm>>
      %dma_wait3A_25 = arith.constant 0 : i32
      %dma_wait3A_26 = tpu.memref_slice %arg4[%add3A_18, %dma_wait3A_25] : memref<16384x128xf32, #tpu.memory_space<hbm>> -> memref<512x128xf32, #tpu.memory_space<hbm>>
      tpu.wait_dma2 semaphore(%run_scoped3A : memref<!tpu.dma_semaphore, #tpu.memory_space<semaphore_mem>>) src(%arg8 : memref<512x128xf32, #tpu.memory_space<vmem>>) dst(%dma_wait3A_26 : memref<512x128xf32, #tpu.memory_space<hbm>>)
      tpu.yield
    }) : () -> ()
    return
  }
}

</mosaic_0001>

<sc_bundles>
// kernel: _sc_gather.3.cloned.1.call-start
scs
__scs_entry_jumppad:
0x0: {  	(pc) =	sbr.rel $0x88, $3  }
0x1: {  	(tag) =	ssettag $0x0;
	lr =	simm.s32 $0x1  }
0x2: {  	[smem:$0x3F9F] =	sst lr;
	_ =	strace $0xD0000000  }
0x3: {  	_ = 	snop  }
0x4: {  	_ = 	snop  }
0x5: {  	_ = 	snop  }
0x6: {  	_ = 	snop  }
0x7: {  	_ = 	snop  }
__scs_overlays_trampoline_lowered:
0x8: {  	[smem:$0x3FAE] =	sst s0  }
0x9: {  	[smem:$0x3FAF] =	sst s1  }
0xa: {  	[smem:$0x3FB0] =	sst s2  }
0xb: {  	[smem:$0x3FB1] =	sst s3  }
0xc: {  	[smem:$0x3FB2] =	sst s4  }
0xd: {  	[smem:$0x3FB3] =	sst s5  }
0xe: {  	[smem:$0x3FB4] =	sst s6  }
0xf: {  	[smem:$0x3FB5] =	sst s7  }
0x10: {  	[smem:$0x3FB6] =	sst s8  }
0x11: {  	[smem:$0x3FB7] =	sst s9;
	s0 =	simm.s32 @!p0 $0x0  }
0x12: {  	s1 =	sld [smem:$0x3F9D];
	s0 =	simm.s32 @p0 $0x1  }
0x13: {  	[smem:$0x3FB8] =	sst s0;
	s0 =	simm.s32 @!p1 $0x0  }
0x14: {  	s2 =	sld [smem:$0x3F9C];
	s0 =	simm.s32 @p1 $0x1  }
0x15: {  	[smem:$0x3FB9] =	sst s0;
	s0 =	simm.s32 @!p2 $0x0  }
0x16: {  	s3 =	sld [smem:$0x3FDB];
	s0 =	simm.s32 @p2 $0x1  }
0x17: {  	s4 =	simm.s32 $0x1BF5;
	[smem:$0x3FBB] =	sst s0  }
0x18: {  	s0 =	sld [smem:$0x3F9E];
	_ =	swait.ge [sflag:s4], $0x0  }
0x19: {  	s7 =	sld [smem:$0x3F9F]  }
0x1a: {  	s8 =	sadd.s32 $0xFFFFE003, lr  }
0x1b: {  	s9 =	sadd.s32 $0xFFFFFEF7, lr;
	s5 =	simm.s32 $0xFFFFFFFF;
	p2 =	slt.u32 s8, $0xFFFFF086  }
0x1c: {  	p1 =	slt.u32 s9, $0xF7A;
	s5 =	simm.s32 @!p2 $0x0  }
0x1d: {  	s5 =	simm.s32 @p1 $0x1;
	p0 =	seq.s32 s7, s2  }
0x1e: {  	s7 =	smul.u32 @!p0 $0xF7A, s2;
	p2 =	seq.s32 @!p0 s5, $0x0  }
0x1f: {  	s9 =	smul.u32 $0xF7A, s1;
	s8 =	simm.s32 @!p0 $0x1BF5;
	p2 =	por !p2, p0  }
0x20: {  	[sflag:s8] =	ssyncset.s32 @!p0 $0xFFFFF086;
	s6 =	sadd.s32 @!p0 s3, s7;
	s7 =	simm.s32 @!p0 $0x108  }
0x21: {  	s3 =	sadd.s32 s3, s9;
	s6 =	sadd.s32 @!p0 $0x88, s6;
	s7 =	simm.s32 @p2 $0x1082  }
0x22: {  	[simem:s7], [sflag:s8] =	dma.local @!p0 [hbm:s6], $0xF7A  }
0x23: {  	s9 =	sor.u32 $0xD0000000, s2;
	s6 =	simm.s32 $0x108;
	_ =	swait.ge @!p0 [sflag:s8], $0x0  }
0x24: {  	s3 =	sadd.s32 $0x88, s3;
	s6 =	simm.s32 @!p1 $0x1082;
	[sflag:s4] =	ssyncset.s32 $0xFFFFF086  }
0x25: {  	[simem:s6], [sflag:s4] =	dma.local [hbm:s3], $0xF7A  }
0x26: {  	[smem:$0x3F9F] =	sst s1;
	(tag) =	ssettag s2;
	_ =	strace s9  }
0x27: {  	s1 =	sld [smem:$0x3FAF]  }
0x28: {  	s2 =	sld [smem:$0x3FB0]  }
0x29: {  	s4 =	sld [smem:$0x3FB2]  }
0x2a: {  	p0 =	seq.s32 s5, $0x0;
	s5 =	sld [smem:$0x3FB3]  }
0x2b: {  	s6 =	sld [smem:$0x3FB4]  }
0x2c: {  	s7 =	sld [smem:$0x3FB5]  }
0x2d: {  	s3 =	simm.s32 $0x108;
	s8 =	sld [smem:$0x3FB6]  }
0x2e: {  	s3 =	simm.s32 @!p0 $0x1082;
	s9 =	sld [smem:$0x3FB7]  }
0x2f: {  	lr =	sadd.s32 s0, s3;
	s0 =	sld [smem:$0x3FAE]  }
0x30: {  	s3 =	sld [smem:$0x3FB1]  }
0x31: {  	[smem:$0x3FBA] =	sst s10  }
0x32: {  	s10 =	sld [smem:$0x3FB8];
	_ =	sdelay $0x3  }
0x33: {  	p0 =	seq.s32 s10, $0x1;
	s10 =	sld [smem:$0x3FBA];
	_ =	sdelay $0x3  }
0x34: {  	[smem:$0x3FBA] =	sst s10  }
0x35: {  	s10 =	sld [smem:$0x3FB9];
	_ =	sdelay $0x3  }
0x36: {  	p1 =	seq.s32 s10, $0x1;
	s10 =	sld [smem:$0x3FBA];
	_ =	sdelay $0x3  }
0x37: {  	[smem:$0x3FBA] =	sst s10  }
0x38: {  	s10 =	sld [smem:$0x3FBB]  }
0x39: {  	_ = 	snop;
	(pc) =	sbr.ind lr, $3  }
0x3a: {  	_ = 	snop  }
0x3b: {  	_ = 	snop  }
0x3c: {  	p2 =	seq.s32 s10, $0x1;
	s10 =	sld [smem:$0x3FBA]  }
0x3d: {  	_ =	shalt  }
0x3e: {  	_ =	shalt  }
0x3f: {  	_ =	shalt  }
0x40: {  	_ =	shalt  }
0x41: {  	_ =	shalt  }
0x42: {  	_ =	shalt  }
0x43: {  	_ =	shalt  }
0x44: {  	_ =	shalt  }
0x45: {  	_ =	shalt  }
0x46: {  	_ =	shalt  }
0x47: {  	_ =	shalt  }
0x48: {  	_ =	shalt  }
0x49: {  	_ =	shalt  }
0x4a: {  	_ =	shalt  }
0x4b: {  	_ =	shalt  }
0x4c: {  	_ =	shalt  }
0x4d: {  	_ =	shalt  }
0x4e: {  	_ =	shalt  }
0x4f: {  	_ =	shalt  }
0x50: {  	_ =	shalt  }
0x51: {  	_ =	shalt  }
0x52: {  	_ =	shalt  }
0x53: {  	_ =	shalt  }
0x54: {  	_ =	shalt  }
0x55: {  	_ =	shalt  }
0x56: {  	_ =	shalt  }
0x57: {  	_ =	shalt  }
0x58: {  	_ =	shalt  }
0x59: {  	_ =	shalt  }
0x5a: {  	_ =	shalt  }
0x5b: {  	_ =	shalt  }
0x5c: {  	_ =	shalt  }
0x5d: {  	_ =	shalt  }
0x5e: {  	_ =	shalt  }
0x5f: {  	_ =	shalt  }
0x60: {  	_ =	shalt  }
0x61: {  	_ =	shalt  }
0x62: {  	_ =	shalt  }
0x63: {  	_ =	shalt  }
0x64: {  	_ =	shalt  }
0x65: {  	_ =	shalt  }
0x66: {  	_ =	shalt  }
0x67: {  	_ =	shalt  }
0x68: {  	_ =	shalt  }
0x69: {  	_ =	shalt  }
0x6a: {  	_ =	shalt  }
0x6b: {  	_ =	shalt  }
0x6c: {  	_ =	shalt  }
0x6d: {  	_ =	shalt  }
0x6e: {  	_ =	shalt  }
0x6f: {  	_ =	shalt  }
0x70: {  	_ =	shalt  }
0x71: {  	_ =	shalt  }
0x72: {  	_ =	shalt  }
0x73: {  	_ =	shalt  }
0x74: {  	_ =	shalt  }
0x75: {  	_ =	shalt  }
0x76: {  	_ =	shalt  }
0x77: {  	_ =	shalt  }
0x78: {  	_ =	shalt  }
0x79: {  	_ =	shalt  }
0x7a: {  	_ =	shalt  }
0x7b: {  	_ =	shalt  }
0x7c: {  	_ =	shalt  }
0x7d: {  	_ =	shalt  }
0x7e: {  	_ =	shalt  }
0x7f: {  	_ =	shalt  }
0x80: {  	_ =	shalt  }
0x81: {  	_ =	shalt  }
0x82: {  	_ =	shalt  }
0x83: {  	_ =	shalt  }
0x84: {  	_ =	shalt  }
0x85: {  	_ =	shalt  }
0x86: {  	_ =	shalt  }
0x87: {  	_ =	shalt  }
.Lfunc_end0:
.L_simem_size_0:
called_computation_lowered:
.L_overlay_start_0:
0x88: {  	s0 =	sld [smem:$0x3FD9]  }
0x89: {  	s1 =	sld [smem:$0x3FFE];
	_ =	sdelay $0x3  }
0x8a: {  	s0 =	sadd.s32 s1, s0  }
0x8b: {  	[smem:$0x3FC6] =	sst s0  }
0x8c: {  	_ = 	snop  }
0x8d: {  	s0 =	sld [smem:$0x3FC9]  }
0x8e: {  	s17 =	sld [smem:$0x3FC8]  }
0x8f: {  	s2 =	sld [smem:$0x3FD0];
	(tm) =	ssettm $0x1  }
0x90: {  	s3 =	sld [smem:$0x3FFB];
	_ =	sdelay $0x3  }
0x91: {  	_ =	strace s3  }
0x92: {  	s3 =	sld [smem:$0x3FFC];
	_ =	sdelay $0x3  }
0x93: {  	_ =	strace s3  }
0x94: {  	s3 =	sld [smem:$0x3FFD];
	_ =	sdelay $0x3  }
0x95: {  	_ =	strace s3  }
0x96: {  	_ =	strace $0x8FFFFFFF  }
0x97: {  	s18 =	sld [smem:$0x3FDB];
	_ =	sdelay $0x1  }
0x98: {  	s4 =	simm.s32 $_scs_section_size  }
0x99: {  	s5 =	simm.s32 $_size__tile_overlayer_lowered;
	s6 =	simm.s32 $_tile_overlayer_lowered  }
0x9a: {  	s21 =	simm.s32 $0x1BFF;
	s20 =	sshll.u32 s6, $0x1;
	s3 =	sadd.s32 s4, s18  }
0x9b: {  	s7 =	simm.s32 $0x0;
	s19 =	sshll.u32 s5, $0x1;
	s5 =	sadd.s32 s20, s3  }
0x9c: {  	[timem:s7], [sflag:s21] =	dma.local [hbm:s5], s19  }
0x9d: {  	_ =	swait.ge [sflag:s21], s19  }
0x9e: {  	s4 =	ssub.s32 $0x0, s19;
	[sflag:s21] =	ssyncset.done $0x0  }
0x9f: {  	[sflag:s21] =	ssyncadd.s32 s4;
	_ =	sdelay $0x1  }
0xa0: {  	s22 =	simm.s32 $0x1B8B  }
0xa1: {  	_ =	swait.ge [sflag:s22], $0x1  }
0xa2: {  	[sflag:s22] =	ssyncset.done $0x0  }
0xa3: {  	s23 =	simm.s32 $0x1B8E;
	[sflag:s22] =	ssyncadd.s32 $0xFFFFFFFF  }
0xa4: {  	s24 =	simm.s32 $execute0_lowered;
	[smem:$0x3FD2] =	sst s23  }
0xa5: {  	s4 =	sshll.u32 s24, $0x1;
	_ =	strace $0x80000046;
	[dreg:$0x1] =	wrdreg $0xFFFFFFFF  }
0xa6: {  	s25 =	simm.s32 $_size_execute0_lowered;
	s3 =	sadd.s32 s3, s4;
	[dreg:$0x0] =	wrdreg $0x0  }
0xa7: {  	s4 =	sshll.u32 s25, $0x1;
	[dreg:$0x2] =	wrdreg s3  }
0xa8: {  	[dreg:$0x3] =	wrdreg s4  }
0xa9: {  	[dreg:$0x4] =	wrdreg $0xC0  }
0xaa: {  	_ =	task [dreg:s7], $0x5FFFF  }
0xab: {  	[dreg:$0x1] =	wrdreg $0xFFFFFFFF  }
0xac: {  	[dreg:$0x0] =	wrdreg $0x60  }
0xad: {  	[dreg:$0x2] =	wrdreg s0  }
0xae: {  	[dreg:$0x3] =	wrdreg s17  }
0xaf: {  	[dreg:$0x4] =	wrdreg s2  }
0xb0: {  	[dreg:$0x5] =	wrdreg $0x4000  }
0xb1: {  	[dreg:$0x6] =	wrdreg $0x9  }
0xb2: {  	_ =	task.clear_ibuf [dreg:s7], $0x7FFFF;
	_ =	strace $0x90000046  }
0xb3: {  	s26 =	simm.s32 $0x9;
	_ =	strace $0x80000048  }
0xb4: {  	_ =	swait.ge [sflag:s26], $0x1  }
0xb5: {  	[sflag:s26] =	ssyncadd.s32 $0xFFFFFFFF  }
0xb6: {  	_ =	strace $0x90000048  }
0xb7: {  	_ =	sfence  }
0xb8: {  	s28 =	sld [smem:$0x0];
	_ =	sdelay $0x1  }
0xb9: {  	s29 =	srdreg.scid  }
0xba: {  	s30 =	sshll.u32 s29, $0xD;
	s31 =	sshrl.u32 s29, $0x2  }
0xbb: {  	s1 =	sand.u32 $0x1, s29;
	s2 =	sand.u32 $0x4000, s30;
	s0 =	sadd.s32 s31, s28  }
0xbc: {  	s1 =	sor.u32 s2, s1;
	s0 =	sshll.u32 s0, $0x11  }
0xbd: {  	s0 =	sor.u32 s0, s1  }
0xbe: {  	s0 =	sadd.s32 $0x8F2B, s0  }
0xbf: {  	[sflag:s0] =	ssyncadd.remote.s32 $0x1  }
0xc0: {  	_ =	sfence.sel $0xFFFF  }
0xc1: {  	[dreg:$0x0] =	wrdreg $0xFFFFFFFF;
	(pc) =	sbr.abs _section_cstart, $3  }
0xc2: {  	[dreg:$0x1] =	wrdreg $0xFFFFFFFF  }
0xc3: {  	_ =	task.clear_ibuf [dreg:s7], $0x2FFFF;
	_ =	strace $0x9FFFFFFF  }
0xc4: {  	(tm) =	ssettm $0x7FFFFFFF  }
0xc5: {  	_ =	shalt  }
tec
execute0_lowered:
.L_overlay_start_1:
0x0: {  	(tag) =	ssettag $0x1  }
0x1: {  	s0 =	rddreg [dreg:$0x0]  }
0x2: {  	s1 =	rddreg [dreg:$0x1]  }
0x3: {  	s2 =	rddreg [dreg:$0x2]  }
0x4: {  	s3 =	rddreg [dreg:$0x3]  }
0x5: {  	s4 =	rddreg [dreg:$0x4];
	s5 =	simm.s32 $0x0;
	s6 =	stileid.u32  }
0x6: {  	[smem:$0x7FF] =	sst s5;
	p0 =	sne.s32 s6, $0x0  }
0x7: {  	_ =	strace $0x80000047;
	s7 =	sshrl.u32 @!p0 s3, $0x3;
	s8 =	simm.s32 @!p0 $0x1C02  }
0x8: {  	[spmem:s7], [sflag:s8] =	dma.local @!p0 [hbm:s0], $0x150  }
0x9: {  	s0 =	simm.s32 @!p0 $0x2  }
0xa: {  	_ =	swait.ge @!p0 [sflag:s0], $0x150  }
0xb: {  	s28 =	simm.s32 $0x2;
	s25 =	sshll.u32 s6, $0x7;
	[sflag:s0] =	ssyncset.done @!p0 $0x0  }
0xc: {  	s26 =	sshll.u32 s6, $0xA;
	s7 =	sadd.s32 s1, s25;
	[sflag:s0] =	ssyncadd.s32 @!p0 $0xFFFFFEB0  }
0xd: {  	[tilespmem:s5], [sflag:$0x2] =	stream.linear.gather [hbm4b:s7+s5], $0x200, $0x38;
	[tilespmem:$0x104A8] =	vst v63  }
0xe: {  	s0 =	sor.u32 $0x200, s26;
	_ =	swait.ge [sflag:s28], $0x200  }
0xf: {  	s29 =	sshrl.u32 s0, $0x3;
	[sflag:s28] =	ssyncset.done $0x0  }
0x10: {  	s30 =	simm.s32 $0x200;
	s1 =	sadd.s32 s1, s29;
	[sflag:s28] =	ssyncadd.s32 $0xFFFFFE00  }
0x11: {  	[tilespmem:s30], [sflag:$0x2] =	stream.linear.gather [hbm4b:s1+s5], $0x200, $0x38;
	[tilespmem:$0x104A8] =	vst v63  }
0x12: {  	_ =	swait.ge [sflag:s28], $0x200  }
0x13: {  	[sflag:s28] =	ssyncset.done $0x0  }
0x14: {  	[sflag:s28] =	ssyncadd.s32 $0xFFFFFE00  }
0x15: {  	s31 =	simm.s32 $0x4A8;
	s9 =	simm.s32 $0x1;
	[bflag:$0x0] =	sbarrier.arrive $0xFFFF  }
0x16: {  	[tilespmem:s31], [sflag:$0x1] =	stream.indirect.gather [spmem:s3], $0x80, s5, s30, $0xb8;
	[tilespmem:$0x104A8] =	vst v63  }
0x17: {  	_ =	swait.ge [sflag:s9], $0x10000  }
0x18: {  	s6 =	sshll.u32 s6, $0xE;
	[sflag:s9] =	ssyncset.done $0x0  }
0x19: {  	s6 =	sadd.s32 s2, s6;
	[sflag:s9] =	ssyncadd.s32 $0xFFFF0000  }
0x1a: {  	[hbm4b:s6+s5] =	stream.linear.scatter [tilespmem:s31], [sflag:$0x2], $0x10000, $0x38;
	[tilespmem:$0x104A8] =	vst v63  }
0x1b: {  	_ =	swait.ge [sflag:s28], $0x10000  }
0x1c: {  	[sflag:s28] =	ssyncset.done $0x0  }
0x1d: {  	[sflag:s28] =	ssyncadd.s32 $0xFFFF0000  }
0x1e: {  	[tilespmem:s31], [sflag:$0x1] =	stream.indirect.gather [spmem:s3], $0x80, s30, s30, $0xb8;
	[tilespmem:$0x104A8] =	vst v63  }
0x1f: {  	_ =	swait.ge [sflag:s9], $0x10000  }
0x20: {  	s0 =	sshll.u32 s0, $0x4;
	[sflag:s9] =	ssyncset.done $0x0  }
0x21: {  	s0 =	sadd.s32 s2, s0;
	[sflag:s9] =	ssyncadd.s32 $0xFFFF0000  }
0x22: {  	[hbm4b:s0+s5] =	stream.linear.scatter [tilespmem:s31], [sflag:$0x2], $0x10000, $0x38;
	[tilespmem:$0x104A8] =	vst v63  }
0x23: {  	_ =	swait.ge [sflag:s28], $0x10000  }
0x24: {  	[sflag:s28] =	ssyncset.done $0x0  }
0x25: {  	[sflag:s28] =	ssyncadd.s32 $0xFFFF0000  }
0x26: {  	_ =	sfence.sel $0x180000  }
0x27: {  	[bflag:$0x0] =	sbarrier.arrive $0xFFFF  }
0x28: {  	_ =	strace $0x90000047  }
0x29: {  	s0 =	sadd.s32 @!p0 $0x100000, s4;
	[bflag:$0x2] =	sbarrier.arrive $0xFFFF  }
0x2a: {  	[sflag:s0] =	ssyncadd.tile.s32 @!p0 $0x1;
	_ =	shalt  }
.Lfunc_end2:
_tile_overlayer_lowered:
.L_overlay_start_2:
0x2b: {  	(tag) =	ssettag $0x2  }
0x2c: {  	s0 =	rddreg [dreg:$0x0];
	s2 =	stileid.u32  }
0x2d: {  	s1 =	rddreg [dreg:$0x1];
	p0 =	sne.s32 s2, $0x0  }
0x2e: {  	s3 =	rddreg [dreg:$0x2];
	[bflag:$0x3] =	sbarrier.arrive $0xFFFF;
	s2 =	simm.s32 @!p0 $0x1C02  }
0x2f: {  	[timem:s3], [sflag:s2] =	dma.local @!p0 [hbm:s0], s1  }
0x30: {  	s0 =	simm.s32 @!p0 $0x2  }
0x31: {  	_ =	swait.ge @!p0 [sflag:s0], s1  }
0x32: {  	s1 =	ssub.s32 @!p0 $0x0, s1;
	[sflag:s0] =	ssyncset.done @!p0 $0x0  }
0x33: {  	[sflag:s0] =	ssyncadd.s32 @!p0 s1  }
0x34: {  	[bflag:$0x3] =	sbarrier.arrive $0xFFFF  }
0x35: {  	_ =	shalt  }

</sc_bundles>
